<compile_context>
chip_gen: v7x
topology: tpu7x:2x2x1
jax: 0.10.2.dev20260603
libtpu: 0.0.44.dev20260713+nightly
codegen_flags: <defaults>
</compile_context>

<pallas_src>
import jax
import jax.numpy as jnp
from jax.experimental import pallas as pl

_SIDE = 14
_NUM = 3
_CLASSES = 20
_CELLS = _SIDE * _SIDE
_CH = _NUM * 5 + _CLASSES
_FEAT = _CELLS * _CH
_BOXES = _CELLS * _NUM
_BT = 128


def _decode_body(x_ref, cls_ref, loc_ref, conf_ref):
    xt = x_ref[...].T
    e = jnp.exp(xt)
    sg = e / (1.0 + e)
    e3 = e.reshape(_CELLS, _CH, _BT)
    s3 = sg.reshape(_CELLS, _CH, _BT)

    ecls = e3[:, _NUM * 5:, :]
    rec = 1.0 / jnp.sum(ecls, axis=1, keepdims=True)
    p = ecls * rec
    cls_ref[...] = jnp.broadcast_to(
        p[:, None], (_CELLS, _NUM, _CLASSES, _BT)
    ).reshape(_BOXES, _CLASSES, _BT)

    c_idx = jax.lax.broadcasted_iota(jnp.int32, (_CELLS, 1, 1), 0)
    gx = (c_idx % _SIDE).astype(jnp.float32)
    gy = (c_idx // _SIDE).astype(jnp.float32)
    grid = jnp.concatenate([gx, gy], axis=1)

    las = []
    cfs = []
    for a in range(_NUM):
        base = a * 5
        pxy = (s3[:, base:base + 2, :] + grid) * (1.0 / _SIDE)
        wh = s3[:, base + 2:base + 4, :]
        las.append(jnp.concatenate([pxy, wh], axis=1))
        cfs.append(s3[:, base + 4, :])
    loc_ref[...] = jnp.stack(las, axis=1).reshape(_BOXES, 4, _BT)
    conf_ref[...] = jnp.stack(cfs, axis=1).reshape(_BOXES, _BT)


def kernel(b_x):
    bsz = b_x.shape[0]
    cls_t, loc_t, conf_t = pl.pallas_call(
        _decode_body,
        grid=(bsz // _BT,),
        in_specs=[pl.BlockSpec((_BT, _FEAT), lambda i: (i, 0))],
        out_specs=(
            pl.BlockSpec((_BOXES, _CLASSES, _BT), lambda i: (0, 0, i)),
            pl.BlockSpec((_BOXES, 4, _BT), lambda i: (0, 0, i)),
            pl.BlockSpec((_BOXES, _BT), lambda i: (0, i)),
        ),
        out_shape=(
            jax.ShapeDtypeStruct((_BOXES, _CLASSES, bsz), b_x.dtype),
            jax.ShapeDtypeStruct((_BOXES, 4, bsz), b_x.dtype),
            jax.ShapeDtypeStruct((_BOXES, bsz), b_x.dtype),
        ),
    )(b_x)
    return (
        loc_t.transpose(2, 0, 1),
        cls_t.transpose(2, 0, 1),
        conf_t.T,
    )

# --- scband reference (transcript-rebuilt; emitter-appended) ---
"""Pipeline reference for scband-detection-layer-27023934226529 (READ-ONLY COPY).

The authoritative reference and input builder live on the scoring server;
editing this copy changes nothing except your own understanding.
"""

import jax, jax.numpy as jnp
import numpy as np

SIDE = 14
NUM = 3
CLASSES = 20
COORDS = 4
RESCORE = 1
FEAT = SIDE * SIDE * (NUM * (COORDS + RESCORE) + CLASSES)


def _default_xy():
    x = jnp.linspace(0.0, SIDE - 1, SIDE)
    # x_grid[i, j] = j (x / column offset), y_grid[i, j] = i (y / row offset)
    xg, yg = jnp.meshgrid(x, x, indexing='xy')
    xg = jnp.broadcast_to(xg[..., None], (SIDE, SIDE, NUM))
    yg = jnp.broadcast_to(yg[..., None], (SIDE, SIDE, NUM))
    return jnp.concatenate([xg[..., None], yg[..., None]], axis=3)  # [side, side, num, 2]


def setup_inputs(seed: int = 0) -> dict:
    key = jax.random.key(seed)
    b_x = jax.random.normal(key, (1024, FEAT), dtype=jnp.float32)
    return {"b_x": b_x}


def reference(b_x):
    b = b_x.shape[0]
    default_xy = jnp.broadcast_to(_default_xy()[None], (b, SIDE, SIDE, NUM, 2)).astype(b_x.dtype)
    x = b_x.reshape(b, SIDE, SIDE, NUM * (COORDS + RESCORE) + CLASSES)
    locoff_conf = x[..., : NUM * (COORDS + RESCORE)].reshape(b, SIDE, SIDE, NUM, COORDS + RESCORE)
    out_locoff = locoff_conf[..., :COORDS]
    out_conf = jax.nn.sigmoid(locoff_conf[..., COORDS])
    out_cls_raw = x[..., NUM * (COORDS + RESCORE):]
    # softmax=True in init_kwargs -> softmax over class dim (dim=3)
    out_cls = jax.nn.softmax(out_cls_raw, axis=3)
    out_loc = jax.nn.sigmoid(out_locoff)
    pred_xy = (out_loc[..., :2] + default_xy) / SIDE
    pred_loc = jnp.concatenate([pred_xy, out_loc[..., 2:]], axis=-1)
    # eval path: flatten to [b, side*side*num, ...]
    b_pred_loc = pred_loc.reshape(b, SIDE * SIDE * NUM, 4)
    b_out_cls = jnp.broadcast_to(out_cls[..., None, :], (b, SIDE, SIDE, NUM, CLASSES)).reshape(b, SIDE * SIDE * NUM, CLASSES)
    b_out_conf = out_conf.reshape(b, SIDE * SIDE * NUM)
    return (b_pred_loc, b_out_cls, b_out_conf)

if __name__ == "__main__":
    import jax
    _d = setup_inputs()
    print(jax.jit(kernel)(*tuple(_d.values())))

</pallas_src>

<mosaic_0001>
module attributes {stable_mosaic.version = 14 : i64} {
  func.func @_decode_body(%arg0: i32, %arg1: memref<128x6860xf32, #tpu.memory_space<vmem>>, %arg2: memref<588x20x128xf32, #tpu.memory_space<vmem>>, %arg3: memref<588x4x128xf32, #tpu.memory_space<vmem>>, %arg4: memref<588x128xf32, #tpu.memory_space<vmem>>) attributes {dimension_semantics = [#tpu.dimension_semantics<arbitrary>], iteration_bounds = array<i64: 8>, scalar_prefetch = 0 : i64, scratch_operands = 0 : i64, tpu.core_type = #tpu.core_type<tc>, window_params = [{transform_indices = @transform_0, window_bounds = array<i64: 128, 6860>}, {transform_indices = @transform_1, window_bounds = array<i64: 588, 20, 128>}, {transform_indices = @transform_2, window_bounds = array<i64: 588, 4, 128>}, {transform_indices = @transform_3, window_bounds = array<i64: 588, 128>}]} {
    %get3A = arith.constant 0 : index
    %get3A_0 = arith.constant 0 : index
    %get3A_1 = vector.load %arg1[%get3A, %get3A_0] : memref<128x6860xf32, #tpu.memory_space<vmem>>, vector<128x6860xf32>
    %transpose3A = tpu.transpose %get3A_1, [1, 0] : vector<128x6860xf32> -> vector<6860x128xf32>
    %exp3A = math.exp %transpose3A : vector<6860x128xf32>
    %add3A = arith.constant 1.000000e+00 : f32
    %add3A_2 = vector.broadcast %add3A : f32 to vector<6860x128xf32>
    %add3A_3 = arith.addf %add3A_2, %exp3A : vector<6860x128xf32>
    %div3A = arith.divf %exp3A, %add3A_3 : vector<6860x128xf32>
    %reshape3A = vector.shape_cast %exp3A : vector<6860x128xf32> to vector<196x35x128xf32>
    %reshape3A_4 = vector.shape_cast %div3A : vector<6860x128xf32> to vector<196x35x128xf32>
    %slice3A = vector.extract_strided_slice %reshape3A {offsets = [0, 15, 0], sizes = [196, 20, 128], strides = [1, 1, 1]} : vector<196x35x128xf32> to vector<196x20x128xf32>
    %reduce_sum3A = arith.constant dense<0.000000e+00> : vector<196x128xf32>
    %reduce_sum3A_5 = vector.multi_reduction <add>, %slice3A, %reduce_sum3A [1] : vector<196x20x128xf32> to vector<196x128xf32>
    %broadcast_in_dim3A = vector.shape_cast %reduce_sum3A_5 : vector<196x128xf32> to vector<196x1x128xf32>
    %div3A_6 = arith.constant 1.000000e+00 : f32
    %div3A_7 = vector.broadcast %div3A_6 : f32 to vector<196x1x128xf32>
    %div3A_8 = arith.divf %div3A_7, %broadcast_in_dim3A : vector<196x1x128xf32>
    %mul3A = vector.broadcast %div3A_8 : vector<196x1x128xf32> to vector<196x20x128xf32>
    %mul3A_9 = arith.mulf %slice3A, %mul3A : vector<196x20x128xf32>
    %broadcast_in_dim3A_10 = vector.shape_cast %mul3A_9 : vector<196x20x128xf32> to vector<196x1x20x128xf32>
    %broadcast_in_dim3A_11 = vector.shape_cast %broadcast_in_dim3A_10 : vector<196x1x20x128xf32> to vector<196x1x20x128xf32>
    %broadcast_in_dim3A_12 = vector.broadcast %broadcast_in_dim3A_11 : vector<196x1x20x128xf32> to vector<196x3x20x128xf32>
    %reshape3A_13 = vector.shape_cast %broadcast_in_dim3A_12 : vector<196x3x20x128xf32> to vector<588x20x128xf32>
    %swap3A = arith.constant 0 : index
    %swap3A_14 = arith.constant 0 : index
    %swap3A_15 = arith.constant 0 : index
    %swap3A_16 = vector.load %arg2[%swap3A, %swap3A_14, %swap3A_15] : memref<588x20x128xf32, #tpu.memory_space<vmem>>, vector<588x20x128xf32>
    tpu.vector_store %arg2[%swap3A, %swap3A_14, %swap3A_15], %reshape3A_13 {strides = array<i32>} : memref<588x20x128xf32, #tpu.memory_space<vmem>>, vector<588x20x128xf32>,
    %iota3A = tpu.iota {dimensions = array<i32: 0>} : vector<196x1x1xi32>
    %jit3A = arith.constant 14 : i32
    %eq3A = arith.constant 0 : i32
    %eq3A_17 = arith.cmpi eq, %jit3A, %eq3A : i32
    %jit3A_18 = arith.constant 1 : i32
    %select_n3A = arith.select %eq3A_17, %jit3A_18, %jit3A : i32
    %rem3A = vector.broadcast %select_n3A : i32 to vector<196x1x1xi32>
    %rem3A_19 = arith.remsi %iota3A, %rem3A : vector<196x1x1xi32>
    %ne3A = arith.constant 0 : i32
    %ne3A_20 = vector.broadcast %ne3A : i32 to vector<196x1x1xi32>
    %ne3A_21 = arith.cmpi ne, %rem3A_19, %ne3A_20 : vector<196x1x1xi32>
    %lt3A = arith.constant 0 : i32
    %lt3A_22 = vector.broadcast %lt3A : i32 to vector<196x1x1xi32>
    %lt3A_23 = arith.cmpi slt, %rem3A_19, %lt3A_22 : vector<196x1x1xi32>
    %lt3A_24 = arith.constant 0 : i32
    %lt3A_25 = arith.cmpi slt, %select_n3A, %lt3A_24 : i32
    %ne3A_26 = vector.broadcast %lt3A_25 : i1 to vector<196x1x1xi1>
    %ne3A_27 = vector.broadcast %ne3A_26 : vector<196x1x1xi1> to vector<196x1x1xi1>
    %ne3A_28 = arith.xori %lt3A_23, %ne3A_27 : vector<196x1x1xi1>
    %and3A = arith.andi %ne3A_28, %ne3A_21 : vector<196x1x1xi1>
    %add3A_29 = vector.broadcast %select_n3A : i32 to vector<196x1x1xi32>
    %add3A_30 = arith.addi %rem3A_19, %add3A_29 : vector<196x1x1xi32>
    %select_n3A_31 = arith.select %and3A, %add3A_30, %rem3A_19 : vector<196x1x1xi1>, vector<196x1x1xi32>
    %convert_element_type3A = arith.sitofp %select_n3A_31 : vector<196x1x1xi32> to vector<196x1x1xf32>
    %jit3A_32 = arith.constant 14 : i32
    %div3A_33 = vector.broadcast %jit3A_32 : i32 to vector<196x1x1xi32>
    %div3A_34 = arith.divsi %iota3A, %div3A_33 : vector<196x1x1xi32>
    %sign3A = arith.constant 0 : i32
    %sign3A_35 = vector.broadcast %sign3A : i32 to vector<196x1x1xi32>
    %sign3A_36 = arith.cmpi sgt, %iota3A, %sign3A_35 : vector<196x1x1xi32>
    %sign3A_37 = arith.extui %sign3A_36 : vector<196x1x1xi1> to vector<196x1x1xi32>
    %sign3A_38 = arith.constant 0 : i32
    %sign3A_39 = vector.broadcast %sign3A_38 : i32 to vector<196x1x1xi32>
    %sign3A_40 = arith.cmpi slt, %iota3A, %sign3A_39 : vector<196x1x1xi32>
    %sign3A_41 = arith.extui %sign3A_40 : vector<196x1x1xi1> to vector<196x1x1xi32>
    %sign3A_42 = arith.subi %sign3A_37, %sign3A_41 : vector<196x1x1xi32>
    %sign3A_43 = arith.constant 0 : i32
    %sign3A_44 = arith.cmpi sgt, %jit3A_32, %sign3A_43 : i32
    %sign3A_45 = arith.extui %sign3A_44 : i1 to i32
    %sign3A_46 = arith.constant 0 : i32
    %sign3A_47 = arith.cmpi slt, %jit3A_32, %sign3A_46 : i32
    %sign3A_48 = arith.extui %sign3A_47 : i1 to i32
    %sign3A_49 = arith.subi %sign3A_45, %sign3A_48 : i32
    %ne3A_50 = vector.broadcast %sign3A_49 : i32 to vector<196x1x1xi32>
    %ne3A_51 = arith.cmpi ne, %sign3A_42, %ne3A_50 : vector<196x1x1xi32>
    %rem3A_52 = vector.broadcast %jit3A_32 : i32 to vector<196x1x1xi32>
    %rem3A_53 = arith.remsi %iota3A, %rem3A_52 : vector<196x1x1xi32>
    %ne3A_54 = arith.constant 0 : i32
    %ne3A_55 = vector.broadcast %ne3A_54 : i32 to vector<196x1x1xi32>
    %ne3A_56 = arith.cmpi ne, %rem3A_53, %ne3A_55 : vector<196x1x1xi32>
    %and3A_57 = arith.andi %ne3A_51, %ne3A_56 : vector<196x1x1xi1>
    %sub3A = arith.constant 1 : i32
    %sub3A_58 = vector.broadcast %sub3A : i32 to vector<196x1x1xi32>
    %sub3A_59 = arith.subi %div3A_34, %sub3A_58 : vector<196x1x1xi32>
    %select_n3A_60 = arith.select %and3A_57, %sub3A_59, %div3A_34 : vector<196x1x1xi1>, vector<196x1x1xi32>
    %convert_element_type3A_61 = arith.sitofp %select_n3A_60 : vector<196x1x1xi32> to vector<196x1x1xf32>
    %concatenate3A = tpu.concatenate %convert_element_type3A, %convert_element_type3A_61 in 1 : vector<196x1x1xf32>, vector<196x1x1xf32> -> vector<196x2x1xf32>
    %slice3A_62 = vector.extract_strided_slice %reshape3A_4 {offsets = [0, 0, 0], sizes = [196, 2, 128], strides = [1, 1, 1]} : vector<196x35x128xf32> to vector<196x2x128xf32>
    %add3A_63 = vector.broadcast %concatenate3A : vector<196x2x1xf32> to vector<196x2x128xf32>
    %add3A_64 = arith.addf %slice3A_62, %add3A_63 : vector<196x2x128xf32>
    %mul3A_65 = arith.constant 0.0714285746 : f32
    %mul3A_66 = vector.broadcast %mul3A_65 : f32 to vector<196x2x128xf32>
    %mul3A_67 = arith.mulf %add3A_64, %mul3A_66 : vector<196x2x128xf32>
    %slice3A_68 = vector.extract_strided_slice %reshape3A_4 {offsets = [0, 2, 0], sizes = [196, 2, 128], strides = [1, 1, 1]} : vector<196x35x128xf32> to vector<196x2x128xf32>
    %concatenate3A_69 = tpu.concatenate %mul3A_67, %slice3A_68 in 1 : vector<196x2x128xf32>, vector<196x2x128xf32> -> vector<196x4x128xf32>
    %slice3A_70 = vector.extract_strided_slice %reshape3A_4 {offsets = [0, 4, 0], sizes = [196, 1, 128], strides = [1, 1, 1]} : vector<196x35x128xf32> to vector<196x1x128xf32>
    %squeeze3A = vector.shape_cast %slice3A_70 : vector<196x1x128xf32> to vector<196x128xf32>
    %slice3A_71 = vector.extract_strided_slice %reshape3A_4 {offsets = [0, 5, 0], sizes = [196, 2, 128], strides = [1, 1, 1]} : vector<196x35x128xf32> to vector<196x2x128xf32>
    %add3A_72 = vector.broadcast %concatenate3A : vector<196x2x1xf32> to vector<196x2x128xf32>
    %add3A_73 = arith.addf %slice3A_71, %add3A_72 : vector<196x2x128xf32>
    %mul3A_74 = arith.constant 0.0714285746 : f32
    %mul3A_75 = vector.broadcast %mul3A_74 : f32 to vector<196x2x128xf32>
    %mul3A_76 = arith.mulf %add3A_73, %mul3A_75 : vector<196x2x128xf32>
    %slice3A_77 = vector.extract_strided_slice %reshape3A_4 {offsets = [0, 7, 0], sizes = [196, 2, 128], strides = [1, 1, 1]} : vector<196x35x128xf32> to vector<196x2x128xf32>
    %concatenate3A_78 = tpu.concatenate %mul3A_76, %slice3A_77 in 1 : vector<196x2x128xf32>, vector<196x2x128xf32> -> vector<196x4x128xf32>
    %slice3A_79 = vector.extract_strided_slice %reshape3A_4 {offsets = [0, 9, 0], sizes = [196, 1, 128], strides = [1, 1, 1]} : vector<196x35x128xf32> to vector<196x1x128xf32>
    %squeeze3A_80 = vector.shape_cast %slice3A_79 : vector<196x1x128xf32> to vector<196x128xf32>
    %slice3A_81 = vector.extract_strided_slice %reshape3A_4 {offsets = [0, 10, 0], sizes = [196, 2, 128], strides = [1, 1, 1]} : vector<196x35x128xf32> to vector<196x2x128xf32>
    %add3A_82 = vector.broadcast %concatenate3A : vector<196x2x1xf32> to vector<196x2x128xf32>
    %add3A_83 = arith.addf %slice3A_81, %add3A_82 : vector<196x2x128xf32>
    %mul3A_84 = arith.constant 0.0714285746 : f32
    %mul3A_85 = vector.broadcast %mul3A_84 : f32 to vector<196x2x128xf32>
    %mul3A_86 = arith.mulf %add3A_83, %mul3A_85 : vector<196x2x128xf32>
    %slice3A_87 = vector.extract_strided_slice %reshape3A_4 {offsets = [0, 12, 0], sizes = [196, 2, 128], strides = [1, 1, 1]} : vector<196x35x128xf32> to vector<196x2x128xf32>
    %concatenate3A_88 = tpu.concatenate %mul3A_86, %slice3A_87 in 1 : vector<196x2x128xf32>, vector<196x2x128xf32> -> vector<196x4x128xf32>
    %slice3A_89 = vector.extract_strided_slice %reshape3A_4 {offsets = [0, 14, 0], sizes = [196, 1, 128], strides = [1, 1, 1]} : vector<196x35x128xf32> to vector<196x1x128xf32>
    %squeeze3A_90 = vector.shape_cast %slice3A_89 : vector<196x1x128xf32> to vector<196x128xf32>
    %stack3A = vector.shape_cast %concatenate3A_69 : vector<196x4x128xf32> to vector<196x1x4x128xf32>
    %stack3A_91 = vector.shape_cast %concatenate3A_78 : vector<196x4x128xf32> to vector<196x1x4x128xf32>
    %stack3A_92 = vector.shape_cast %concatenate3A_88 : vector<196x4x128xf32> to vector<196x1x4x128xf32>
    %stack3A_93 = tpu.concatenate %stack3A, %stack3A_91, %stack3A_92 in 1 : vector<196x1x4x128xf32>, vector<196x1x4x128xf32>, vector<196x1x4x128xf32> -> vector<196x3x4x128xf32>
    %reshape3A_94 = vector.shape_cast %stack3A_93 : vector<196x3x4x128xf32> to vector<588x4x128xf32>
    %swap3A_95 = arith.constant 0 : index
    %swap3A_96 = arith.constant 0 : index
    %swap3A_97 = arith.constant 0 : index
    %swap3A_98 = vector.load %arg3[%swap3A_95, %swap3A_96, %swap3A_97] : memref<588x4x128xf32, #tpu.memory_space<vmem>>, vector<588x4x128xf32>
    tpu.vector_store %arg3[%swap3A_95, %swap3A_96, %swap3A_97], %reshape3A_94 {strides = array<i32>} : memref<588x4x128xf32, #tpu.memory_space<vmem>>, vector<588x4x128xf32>,
    %stack3A_99 = vector.shape_cast %squeeze3A : vector<196x128xf32> to vector<196x1x128xf32>
    %stack3A_100 = vector.shape_cast %squeeze3A_80 : vector<196x128xf32> to vector<196x1x128xf32>
    %stack3A_101 = vector.shape_cast %squeeze3A_90 : vector<196x128xf32> to vector<196x1x128xf32>
    %stack3A_102 = tpu.concatenate %stack3A_99, %stack3A_100, %stack3A_101 in 1 : vector<196x1x128xf32>, vector<196x1x128xf32>, vector<196x1x128xf32> -> vector<196x3x128xf32>
    %reshape3A_103 = vector.shape_cast %stack3A_102 : vector<196x3x128xf32> to vector<588x128xf32>
    %swap3A_104 = arith.constant 0 : index
    %swap3A_105 = arith.constant 0 : index
    %swap3A_106 = vector.load %arg4[%swap3A_104, %swap3A_105] : memref<588x128xf32, #tpu.memory_space<vmem>>, vector<588x128xf32>
    tpu.vector_store %arg4[%swap3A_104, %swap3A_105], %reshape3A_103 {strides = array<i32>} : memref<588x128xf32, #tpu.memory_space<vmem>>, vector<588x128xf32>,
    return
  }
  func.func @transform_0(%arg0: i32) -> (i32, i32) {
    %c0_i32 = arith.constant 0 : i32
    %c0_i32_0 = arith.constant 0 : i32
    return %arg0, %c0_i32 : i32, i32
  }
  func.func @transform_1(%arg0: i32) -> (i32, i32, i32) {
    %c0_i32 = arith.constant 0 : i32
    %c0_i32_0 = arith.constant 0 : i32
    %c0_i32_1 = arith.constant 0 : i32
    return %c0_i32, %c0_i32_0, %arg0 : i32, i32, i32
  }
  func.func @transform_2(%arg0: i32) -> (i32, i32, i32) {
    %c0_i32 = arith.constant 0 : i32
    %c0_i32_0 = arith.constant 0 : i32
    %c0_i32_1 = arith.constant 0 : i32
    return %c0_i32, %c0_i32_0, %arg0 : i32, i32, i32
  }
  func.func @transform_3(%arg0: i32) -> (i32, i32) {
    %c0_i32 = arith.constant 0 : i32
    %c0_i32_0 = arith.constant 0 : i32
    return %c0_i32, %arg0 : i32, i32
  }
}

</mosaic_0001>

<sc_bundles>
// kernel: sparse-core-data-format-call.cloned.1.call-start
scs
called_computation_lowered:
.L_overlay_start_0:
0x0: {  	s2 =	sld [smem:$0x3FD9]  }
0x1: {  	s3 =	sld [smem:$0x3FFE];
	_ =	sdelay $0x1  }
0x2: {  	s1 =	srdreg.scid  }
0x3: {  	s0 =	sand.u32 $0x1, s1  }
0x4: {  	s15 =	sshll.u32 s0, $0xA;
	s2 =	sadd.s32 s3, s2  }
0x5: {  	s2 =	sadd.s32 s2, s15  }
0x6: {  	[smem:$0x3FC7] =	sst s2  }
0x7: {  	_ = 	snop  }
0x8: {  	s2 =	sld [smem:$0x3FD0];
	_ =	sdelay $0x2  }
0x9: {  	s16 =	simm.s32 $0xA;
	s4 =	simm.s32 $0x10  }
0xa: {  	[smem:s4], [sflag:s16] =	dma.local [hbm:s2], $0x1  }
0xb: {  	_ =	swait.eq [sflag:s16], $0x1  }
0xc: {  	[sflag:s16] =	ssyncset.done $0x0  }
0xd: {  	[sflag:s16] =	ssyncadd.s32 $0xFFFFFFFF  }
0xe: {  	s17 =	sld [smem:$0x11];
	(tm) =	ssettm $0x1  }
0xf: {  	s18 =	sld [smem:$0x3FFB];
	_ =	sdelay $0x3  }
0x10: {  	_ =	strace s18  }
0x11: {  	s3 =	sld [smem:$0x3FFC];
	_ =	sdelay $0x3  }
0x12: {  	_ =	strace s3  }
0x13: {  	s3 =	sld [smem:$0x3FFD];
	_ =	sdelay $0x3  }
0x14: {  	_ =	strace s3  }
0x15: {  	_ =	strace $0x8FFFFFFF  }
0x16: {  	s19 =	sld [smem:$0x3FDB];
	_ =	sdelay $0x1  }
0x17: {  	s20 =	simm.s32 $_scs_section_size  }
0x18: {  	s5 =	simm.s32 $_size__tile_overlayer_lowered;
	s6 =	simm.s32 $_tile_overlayer_lowered  }
0x19: {  	s23 =	simm.s32 $0x1BFF;
	s22 =	sshll.u32 s6, $0x1;
	s3 =	sadd.s32 s20, s19  }
0x1a: {  	s7 =	simm.s32 $0x0;
	s21 =	sshll.u32 s5, $0x1;
	s5 =	sadd.s32 s22, s3  }
0x1b: {  	[timem:s7], [sflag:s23] =	dma.local [hbm:s5], s21  }
0x1c: {  	_ =	swait.ge [sflag:s23], s21  }
0x1d: {  	s4 =	ssub.s32 $0x0, s21;
	[sflag:s23] =	ssyncset.done $0x0  }
0x1e: {  	[sflag:s23] =	ssyncadd.s32 s4;
	_ =	sdelay $0x1  }
0x1f: {  	s24 =	simm.s32 $0x1B8B  }
0x20: {  	_ =	swait.ge [sflag:s24], $0x1  }
0x21: {  	[sflag:s24] =	ssyncset.done $0x0  }
0x22: {  	s26 =	simm.s32 $0x1B8E;
	s25 =	sld [smem:$0x3FFE];
	[sflag:s24] =	ssyncadd.s32 $0xFFFFFFFF  }
0x23: {  	s27 =	simm.s32 $execute0_lowered;
	[smem:$0x3FD2] =	sst s26  }
0x24: {  	s5 =	sshll.u32 s27, $0x1;
	_ =	strace $0x80000046;
	[dreg:$0x1] =	wrdreg $0xFFFFFFFF  }
0x25: {  	s28 =	simm.s32 $_size_execute0_lowered;
	s3 =	sadd.s32 s3, s5;
	[dreg:$0x0] =	wrdreg $0x0  }
0x26: {  	s5 =	sshll.u32 s28, $0x1;
	[dreg:$0x2] =	wrdreg s3  }
0x27: {  	[dreg:$0x3] =	wrdreg s5  }
0x28: {  	[dreg:$0x4] =	wrdreg $0xC0  }
0x29: {  	_ =	task [dreg:s7], $0x5FFFF  }
0x2a: {  	[dreg:$0x1] =	wrdreg $0xFFFFFFFF  }
0x2b: {  	[dreg:$0x0] =	wrdreg $0x60  }
0x2c: {  	[dreg:$0x2] =	wrdreg s25  }
0x2d: {  	[dreg:$0x3] =	wrdreg s17  }
0x2e: {  	[dreg:$0x4] =	wrdreg $0x9  }
0x2f: {  	_ =	task.clear_ibuf [dreg:s7], $0x5FFFF;
	_ =	strace $0x90000046  }
0x30: {  	s29 =	simm.s32 $0x9;
	_ =	strace $0x80000048  }
0x31: {  	_ =	swait.ge [sflag:s29], $0x1  }
0x32: {  	[sflag:s29] =	ssyncadd.s32 $0xFFFFFFFF  }
0x33: {  	_ =	strace $0x90000048  }
0x34: {  	_ =	sfence  }
0x35: {  	s30 =	sld [smem:$0x0];
	_ =	sdelay $0x2  }
0x36: {  	s31 =	sshll.u32 s1, $0xD;
	s1 =	sshrl.u32 s1, $0x2  }
0x37: {  	s3 =	sand.u32 $0x4000, s31;
	s1 =	sadd.s32 s1, s30  }
0x38: {  	s0 =	sor.u32 s3, s0;
	s1 =	sshll.u32 s1, $0x11  }
0x39: {  	s0 =	sor.u32 s1, s0  }
0x3a: {  	s0 =	sadd.s32 $0x8F2B, s0  }
0x3b: {  	[sflag:s0] =	ssyncadd.remote.s32 $0x1  }
0x3c: {  	_ =	sfence.sel $0xFFFF  }
0x3d: {  	[dreg:$0x0] =	wrdreg $0xFFFFFFFF;
	(pc) =	sbr.abs _section_cstart, $3  }
0x3e: {  	[dreg:$0x1] =	wrdreg $0xFFFFFFFF  }
0x3f: {  	_ =	task.clear_ibuf [dreg:s7], $0x2FFFF;
	_ =	strace $0x9FFFFFFF  }
0x40: {  	(tm) =	ssettm $0x7FFFFFFF  }
0x41: {  	_ =	shalt  }
tec
execute0_lowered:
.L_overlay_start_1:
0x0: {  	(tag) =	ssettag $0x1  }
0x1: {  	s0 =	srdreg.scid  }
0x2: {  	s1 =	stileid.u32;
	s4 =	rddreg [dreg:$0x0]  }
0x3: {  	_ =	strace $0x80000047;
	s8 =	simm.s32 $0x2;
	s0 =	sshll.u32 s0, $0x4  }
0x4: {  	s19 =	simm.s32 $0x0;
	s10 =	simm.s32 $0x400;
	s0 =	sand.u32 $0x10, s0  }
0x5: {  	s11 =	simm.s32 $0x2000;
	s12 =	simm.s32 $0x0;
	s0 =	sor.u32 s1, s0  }
0x6: {  	s18 =	simm.s32 $0x0;
	s1 =	sshll.u32 s1, $0x7;
	s3 =	sshll.u32 s0, $0x5  }
0x7: {  	s20 =	simm.s32 $0x0;
	s2 =	sand.u32 $0x180, s1;
	s3 =	sand.u32 $0x380, s3  }
0x8: {  	s13 =	simm.s32 $0x0;
	s1 =	ssub.s32 $0x200, s2;
	s5 =	ssub.s32 $0x400, s3  }
0x9: {  	s14 =	simm.s32 $0x0;
	s1 =	sshrl.u32 s1, $0x9;
	s6 =	sand.u32 $0x380, s5  }
0xa: {  	s1 =	smul.u32 $0x14, s1;
	p0 =	sne.s32 s6, $0x0;
	s6 =	simm.s32 $0x1  }
.Ltmp0:
0xb: {  	s7 =	sshrl.u32 s5, $0xA;
	s6 =	simm.s32 @!p0 $0x0;
	(pc) =	sbr.rel .LBB1_1-.Ltmp0, $4  }
0xc: {  	s5 =	simm.s32 $0x1;
	s1 =	sadd.s32 $0x14, s1;
	s6 =	sadd.s32 s6, s7  }
0xd: {  	s15 =	simm.s32 $0x0;
	[sflag:s5] =	ssyncpa.u1 $0x0;
	s6 =	smul.u32 s1, s6  }
0xe: {  	s17 =	simm.s32 $0x0;
	s16 =	smov.u32 s2;
	[sflag:s8] =	ssyncpa.u1 $0x0  }
0xf: {  	s8 =	sshll.u32 s0, $0x8;
	s7 =	sadd.s32 $0x600, s4;
	s9 =	sor.u32 $0x1, s6  }
.LBB1_9:
0x10: {  	s0 =	sshll.u32 s14, $0xA;
	s1 =	sshll.u32 s20, $0x3  }
0x11: {  	p0 =	sgt.s32 s13, $0x13;
	s4 =	smov.u32 s14;
	s0 =	sand.u32 $0xFFFFE000, s0  }
0x12: {  	s28 =	smul.u32 $0x12800, s13;
	s0 =	sor.u32 s0, s1;
	s1 =	smov.u32 s13  }
0x13: {  	s29 =	sshll.u32 s14, $0x4;
	s1 =	simm.s32 @!p0 $0x13;
	p0 =	sgt.s32 s14, $0x1D0  }
0x14: {  	s31 =	rddreg [dreg:$0x1];
	s0 =	sshrl.u32 s0, $0xA;
	s4 =	simm.s32 @!p0 $0x1D0  }
0x15: {  	s25 =	smulhi.u32 $0x6EB3E5, s0;
	s1 =	sadd.s32 s22, s1;
	s4 =	sadd.s32 s21, s4  }
0x16: {  	s26 =	sadd.s32 $0xFFFFFFED, s1;
	s1 =	ssub.s32 $0x14, s1;
	s4 =	sadd.s32 $0xFFFFFE30, s4  }
0x17: {  	s20 =	smul.u32 $0x250, s25;
	p0 =	sgt.s32 s26, $0x0;
	s27 =	sshll.u32 s4, $0x7  }
0x18: {  	s1 =	simm.s32 @p0 $0x0;
	p0 =	sgt.s32 s4, $0x7F;
	s4 =	ssub.s32 $0x4000, s27  }
0x19: {  	s30 =	sshll.u32 s17, $0xE;
	s21 =	sadd.s32 s31, s28;
	s4 =	simm.s32 @p0 $0x0  }
0x1a: {  	s0 =	ssub.s32 s0, s20;
	s1 =	smul.u32 s1, s4;
	s4 =	sand.u32 $0x70, s29  }
0x1b: {  	s20 =	sand.u32 $0x4000, s30;
	s0 =	sshll.u32 s0, $0x7;
	s4 =	sadd.s32 s4, s21  }
0x1c: {  	s20 =	sor.u32 $0x8000, s20;
	s1 =	sand.u32 $0x3FFFFF80, s1;
	s0 =	sadd.s32 s0, s4  }
0x1d: {  	[hbm4b:s0+s10] =	stream.strided.scatter [tilespmem:s20], [sflag:$0x2], s1, s11, s10, $0x38;
	[tilespmem:$0x10000] =	vst v63  }
.LBB1_10:
0x1e: {  	p0 =	slt.u32 s17, $0x2  }
0x1f: {  	p1 =	sgt.s32 @!p0 s19, $0x13  }
0x20: {  	s0 =	smov.u32 s19;
	s4 =	smov.u32 s18;
	p1 =	por !p1, p0  }
0x21: {  	s1 =	sshra.s32 @!p0 s19, $0x1F;
	s0 =	simm.s32 @p1 $0x13;
	p1 =	sgt.s32 @!p0 s18, $0x1D0  }
0x22: {  	s1 =	sand.u32 @!p0 s1, s19;
	s19 =	sshra.s32 @!p0 s18, $0x1F;
	p1 =	por !p1, p0  }
0x23: {  	s0 =	ssub.s32 @!p0 s0, s1;
	s1 =	sand.u32 @!p0 s19, s18;
	s4 =	simm.s32 @p1 $0x1D0  }
0x24: {  	s1 =	ssub.s32 @!p0 s4, s1  }
0x25: {  	s18 =	sadd.s32 @!p0 $0xFFFFFFED, s0;
	s0 =	ssub.s32 @!p0 $0x14, s0;
	s1 =	sadd.s32 @!p0 $0xFFFFFE30, s1  }
0x26: {  	p1 =	sgt.s32 @!p0 s18, $0x0;
	p2 =	sgt.s32 @!p0 s1, $0x7F;
	s1 =	sshll.u32 @!p0 s1, $0x7  }
0x27: {  	p1 =	por !p1, p0;
	s1 =	ssub.s32 @!p0 $0x4000, s1;
	p2 =	por !p2, p0  }
0x28: {  	s0 =	simm.s32 @!p1 $0x0;
	s1 =	simm.s32 @!p2 $0x0  }
0x29: {  	s0 =	smul.u32 @!p0 s0, s1;
	s1 =	sadd.s32 $0x1, s15  }
0x2a: {  	s21 =	smov.u32 s16;
	s18 =	sadd.s32 $0x200, s16;
	p1 =	sgt.s32 s1, $0x13  }
0x2b: {  	s21 =	smov.u32 @p1 s18  }
0x2c: {  	s1 =	simm.s32 @p1 $0x0;
	p1 =	sgt.s32 s21, $0x24B  }
0x2d: {  	s12 =	sadd.s32 $0x4000, s12;
	s21 =	smov.u32 @p1 s2;
	p1 =	sne.s32 s17, s9  }
.Ltmp1:
0x2e: {  	s20 =	smov.u32 s3;
	s19 =	smov.u32 s13;
	(pc) =	sbr.rel @!p1 .LBB1_11-.Ltmp1, $4  }
0x2f: {  	s13 =	smov.u32 s15;
	s4 =	simm.s32 @!p0 $0x2;
	s0 =	sand.u32 @!p0 $0x3FFFFF80, s0  }
0x30: {  	s18 =	smov.u32 s14;
	s14 =	smov.u32 s16;
	_ =	swait.ge @!p0 [sflag:s4], s0  }
0x31: {  	s0 =	ssub.s32 @!p0 $0x0, s0;
	s15 =	smov.u32 s1;
	[sflag:s4] =	ssyncset.done @!p0 $0x0  }
0x32: {  	s17 =	sadd.s32 $0x1, s17;
	[sflag:s4] =	ssyncadd.s32 @!p0 s0;
	s16 =	smov.u32 s21  }
.LBB1_1:
0x33: {  	p0 =	sge.u32 s17, s6;
	s1 =	smov.u32 s15;
	s21 =	smov.u32 s16  }
0x34: {  	s31 =	sadd.s32 $0xFFFFFFFF, s17;
	s0 =	sshll.u32 @!p0 s15, $0xA;
	p1 =	sgt.s32 @!p0 s16, $0x1CC  }
0x35: {  	p2 =	sgt.s32 @!p0 s15, $0x17;
	s4 =	sshra.s32 @!p0 s15, $0x1F;
	s22 =	sshra.s32 @!p0 s16, $0x1F  }
0x36: {  	s0 =	sand.u32 @!p0 $0xFFFFE000, s0;
	p1 =	por !p1, p0;
	p2 =	por !p2, p0  }
0x37: {  	s4 =	sand.u32 @!p0 s4, s15;
	s22 =	sand.u32 @!p0 s22, s16;
	s0 =	sor.u32 @!p0 s8, s0  }
0x38: {  	s1 =	simm.s32 @p2 $0x17;
	s21 =	simm.s32 @p1 $0x1CC;
	s0 =	sshrl.u32 @!p0 s0, $0xA  }
0x39: {  	s1 =	ssub.s32 @!p0 s1, s4;
	s21 =	ssub.s32 @!p0 s21, s22;
	s4 =	smulhi.u32 @!p0 $0xAAAAAAB, s0  }
0x3a: {  	s22 =	sadd.s32 @!p0 $0xFFFFFFE9, s1;
	s21 =	sadd.s32 @!p0 $0xFFFFFE34, s21;
	s1 =	ssub.s32 @!p0 $0x18, s1  }
0x3b: {  	p1 =	sgt.s32 @!p0 s22, $0x0;
	s22 =	sxor.u32 @!p0 $0xFFFFFFFF, s17;
	p2 =	sgt.s32 @!p0 s21, $0x7F  }
0x3c: {  	s21 =	sshll.u32 @!p0 s21, $0x7;
	s4 =	smul.u32 @!p0 $0x18, s4;
	p1 =	por !p1, p0  }
0x3d: {  	s21 =	ssub.s32 @!p0 $0x4000, s21;
	s1 =	simm.s32 @!p1 $0x0;
	p1 =	por !p2, p0  }
0x3e: {  	s0 =	ssub.s32 @!p0 s0, s4;
	s21 =	simm.s32 @!p1 $0x0;
	s4 =	smul.u32 @!p0 $0xC00, s16  }
0x3f: {  	s22 =	sshll.u32 @!p0 s22, $0xE;
	s1 =	smul.u32 @!p0 s1, s21;
	s21 =	sshll.u32 @!p0 s15, $0x4  }
0x40: {  	s22 =	sand.u32 @!p0 $0x4000, s22;
	s21 =	sand.u32 @!p0 $0x70, s21;
	s4 =	sadd.s32 @!p0 s7, s4  }
0x41: {  	s0 =	sshll.u32 @!p0 s0, $0x7;
	s1 =	sand.u32 @!p0 $0x3FFFFF80, s1;
	s4 =	sadd.s32 @!p0 s21, s4  }
0x42: {  	s21 =	simm.s32 @!p0 $0x6000;
	s0 =	sadd.s32 @!p0 s0, s4;
	s4 =	simm.s32 @!p0 $0x80  }
0x43: {  	[tilespmem:s22], [sflag:$0x1] =	stream.strided.gather @!p0 [hbm4b:s0+s4], s1, s21, s4, $0x38;
	[tilespmem:$0x10000] =	vst v63  }
0x44: {  	p0 =	sge.u32 s31, s6  }
.Ltmp2:
0x45: {  	_ = 	snop;
	(pc) =	sbr.rel @p0 .LBB1_10-.Ltmp2, $1  }
0x46: {  	_ =	sdelay $0x3  }
0x47: {  	s0 =	ssub.s32 $0x0, s14  }
0x48: {  	s1 =	sshra.s32 s14, $0x1F;
	p0 =	sgt.s32 s14, $0x1CC;
	s4 =	smov.u32 s14  }
0x49: {  	s28 =	ssub.s32 $0x0, s13;
	s21 =	sand.u32 s0, s1;
	s4 =	simm.s32 @!p0 $0x1CC  }
0x4a: {  	s29 =	sshra.s32 s13, $0x1F;
	s23 =	smov.u32 s13;
	s4 =	sadd.s32 s21, s4  }
0x4b: {  	s24 =	sadd.s32 $0x1, s13;
	p0 =	sgt.s32 s13, $0x17;
	s30 =	sadd.s32 $0xFFFFFE34, s4  }
0x4c: {  	s22 =	sand.u32 s28, s29;
	s23 =	simm.s32 @!p0 $0x17;
	s0 =	sshll.u32 s30, $0x7  }
0x4d: {  	s4 =	sadd.s32 $0x80, s14;
	p0 =	sgt.s32 s30, $0x7F;
	s0 =	ssub.s32 $0x4000, s0  }
0x4e: {  	s1 =	sadd.s32 s22, s23;
	s0 =	simm.s32 @p0 $0x0;
	p0 =	slt.s32 s4, $0x24C  }
0x4f: {  	s31 =	sadd.s32 $0xFFFFFFE9, s1;
	s4 =	simm.s32 @!p0 $0x24C;
	p0 =	slt.s32 s24, $0x14  }
0x50: {  	s1 =	ssub.s32 $0x18, s1;
	s23 =	ssub.s32 s4, s14;
	s24 =	simm.s32 @!p0 $0x14  }
0x51: {  	p1 =	sgt.s32 s31, $0x0;
	s24 =	ssub.s32 s24, s13;
	p0 =	slt.s32 s23, $0x1  }
0x52: {  	s1 =	simm.s32 @p1 $0x0;
	p1 =	slt.s32 @!p0 s24, $0x1  }
0x53: {  	s0 =	smul.u32 s1, s0;
	p0 =	por p0, p1  }
.Ltmp3:
0x54: {  	_ = 	snop;
	(pc) =	sbr.rel @p0 .LBB1_9-.Ltmp3, $4  }
0x55: {  	s0 =	sand.u32 $0x3FFFFF80, s0  }
0x56: {  	_ =	swait.ge [sflag:s5], s0  }
0x57: {  	s0 =	ssub.s32 $0x0, s0;
	[sflag:s5] =	ssyncset.done $0x0  }
0x58: {  	[sflag:s5] =	ssyncadd.s32 s0  }
0x59: {  	s0 =	sshll.u32 s12, $0x2  }
0x5a: {  	s0 =	sand.u32 $0x10000, s0  }
0x5b: {  	s25 =	sshrl.u32 s0, $0x2  }
0x5c: {  	s27 =	simm.s32 $0x0;
	s28 =	simm.s32 $0x0;
	s26 =	sor.u32 $0x8000, s25  }
.LBB1_4:
0x5d: {  	s0 =	sand.u32 $0x3F80, s27  }
0x5e: {  	s30 =	simm.s32 $0x0;
	s31 =	simm.s32 $0x0;
	s4 =	sadd.s32 s0, s26  }
.LBB1_5:
0x5f: {  	s0 =	sand.u32 $0x7, s30  }
0x60: {  	s0 =	sadd.s32 s0, s28  }
0x61: {  	s0 =	sshll.u32 s0, $0x9  }
0x62: {  	s0 =	sshra.s32 s0, $0x2  }
0x63: {  	s29 =	smov.u32 s4;
	s1 =	sadd.s32 s0, s25;
	s0 =	simm.s32 $0xFFFFFFF0  }
.LBB1_6:
0x64: {  	s0 =	sadd.s32 $0x10, s0  }
0x65: {  	v0 =	vld [tilespmem:s1+$0x0];
	p0 =	slt.u32 s0, $0x70  }
.Ltmp4:
0x66: {  	_ = 	snop;
	(pc) =	sbr.rel @p0 .LBB1_6-.Ltmp4, $2  }
0x67: {  	_ =	sdelay $0x2  }
0x68: {  	s1 =	sadd.s32 $0x10, s1;
	[tilespmem:s29+$0x0] =	vst v0;
	s29 =	sadd.s32 $0x10, s29  }
0x69: {  	s31 =	sadd.s32 $0x1, s31  }
0x6a: {  	p0 =	sne.s32 s31, s24  }
.Ltmp5:
0x6b: {  	_ = 	snop;
	(pc) =	sbr.rel @p0 .LBB1_5-.Ltmp5, $2  }
0x6c: {  	_ =	sdelay $0x2  }
0x6d: {  	s4 =	sadd.s32 $0x4000, s4;
	s30 =	sadd.s32 $0x1, s30  }
0x6e: {  	s28 =	sadd.s32 $0x1, s28  }
0x6f: {  	p0 =	sne.s32 s28, s23  }
.Ltmp6:
0x70: {  	_ = 	snop;
	(pc) =	sbr.rel @p0 .LBB1_4-.Ltmp6, $4  }
.Ltmp7:
0x71: {  	_ = 	snop;
	(pc) =	sbr.rel @!p0 .LBB1_9-.Ltmp7, $4  }
0x72: {  	_ = 	snop  }
0x73: {  	_ = 	snop  }
0x74: {  	s27 =	sadd.s32 $0x80, s27  }
0x75: {  	_ = 	snop  }
.LBB1_11:
0x76: {  	_ =	sfence.sel $0x180000  }
0x77: {  	s0 =	simm.s32 $0x1;
	[bflag:$0x0] =	sbarrier.arrive $0xFFFF  }
0x78: {  	s30 =	simm.s32 $0x2;
	[sflag:s0] =	ssyncpa.u1 $0x1  }
0x79: {  	[sflag:s30] =	ssyncpa.u1 $0x1  }
0x7a: {  	_ =	strace $0x90000047  }
0x7b: {  	s31 =	stileid.u32;
	[bflag:$0x2] =	sbarrier.arrive $0xFFFF  }
0x7c: {  	p0 =	sne.s32 s31, $0x0;
	s0 =	rddreg [dreg:$0x2]  }
0x7d: {  	s0 =	sadd.s32 @!p0 $0x100000, s0  }
0x7e: {  	[sflag:s0] =	ssyncadd.tile.s32 @!p0 $0x1;
	_ =	shalt  }
.Lfunc_end1:
_tile_overlayer_lowered:
.L_overlay_start_2:
0x7f: {  	(tag) =	ssettag $0x2  }
0x80: {  	s0 =	rddreg [dreg:$0x0];
	s2 =	stileid.u32  }
0x81: {  	s1 =	rddreg [dreg:$0x1];
	p0 =	sne.s32 s2, $0x0  }
0x82: {  	s3 =	rddreg [dreg:$0x2];
	[bflag:$0x3] =	sbarrier.arrive $0xFFFF;
	s2 =	simm.s32 @!p0 $0x1C01  }
0x83: {  	[timem:s3], [sflag:s2] =	dma.local @!p0 [hbm:s0], s1  }
0x84: {  	s0 =	simm.s32 @!p0 $0x1  }
0x85: {  	_ =	swait.ge @!p0 [sflag:s0], s1  }
0x86: {  	s1 =	ssub.s32 @!p0 $0x0, s1;
	[sflag:s0] =	ssyncset.done @!p0 $0x0  }
0x87: {  	[sflag:s0] =	ssyncadd.s32 @!p0 s1  }
0x88: {  	[bflag:$0x3] =	sbarrier.arrive $0xFFFF  }
0x89: {  	_ =	shalt  }

</sc_bundles>
